<compile_context>
chip_gen: v7x
topology: tpu7x:2x2x1
jax: 0.10.2.dev20260603
libtpu: 0.0.44.dev20260713+nightly
codegen_flags: <defaults>
</compile_context>

<pallas_src>
import functools

import jax
import jax.numpy as jnp
from jax import lax
from jax.experimental import pallas as pl
from jax.experimental.pallas import tpu as pltpu
from jax.experimental.pallas import tpu_sc as plsc

_NUM_CORES = 2
_NUM_SUBCORES = 16
_NUM_WORKERS = _NUM_CORES * _NUM_SUBCORES
_LANES = 16
_ROW = 200 * 128
_TILE = _ROW // 2
_NBUF = 4


def _sc_body(x_hbm, pos_hbm, out_hbm, pos_v, ins, outs, sis, sos):
    wid = lax.axis_index("s") * _NUM_CORES + lax.axis_index("c")
    n_tiles = x_hbm.shape[0] // (_NUM_WORKERS * _TILE)
    base_f = wid * n_tiles * _TILE

    pltpu.sync_copy(pos_hbm, pos_v)

    def in_copy(b, t):
        src = x_hbm.at[pl.ds(base_f + t * _TILE, _TILE)]
        return pltpu.make_async_copy(src, ins[b], sis[b])

    def out_copy(b, t):
        dst = out_hbm.at[pl.ds(base_f + t * _TILE, _TILE)]
        return pltpu.make_async_copy(outs[b], dst, sos[b])

    for b in range(_NBUF):
        in_copy(b, b).start()

    def quad(q, carry):
        t0 = q * _NBUF
        for b in range(_NBUF):
            t = t0 + b
            in_copy(b, t).wait()

            @pl.when(q >= 1)
            def _():
                out_copy(b, t - _NBUF).wait()

            pos_base = (b % 2) * _TILE
            in_b, out_b = ins[b], outs[b]

            out_copy_probe = pltpu.make_async_copy(
                ins[b], out_hbm.at[pl.ds(base_f + t * _TILE, _TILE)], sos[b]
            )
            out_copy_probe.start()

            @pl.when(t + _NBUF < n_tiles)
            def _():
                in_copy(b, t + _NBUF).start()
        return carry

    lax.fori_loop(0, n_tiles // _NBUF, quad, 0)

    for b in range(_NBUF):
        out_copy(b, n_tiles - _NBUF + b).wait()


def _sc_add(x1d, pos1d):
    n = x1d.shape[0]
    body = lambda x_hbm, pos_hbm, out_hbm, pos_v, i0, i1, i2, i3, o0, o1, o2, o3, si0, si1, si2, si3, so0, so1, so2, so3: _sc_body(
        x_hbm, pos_hbm, out_hbm, pos_v,
        [i0, i1, i2, i3], [o0, o1, o2, o3],
        [si0, si1, si2, si3], [so0, so1, so2, so3],
    )
    grid_kernel = functools.partial(
        pl.kernel,
        out_type=jax.ShapeDtypeStruct((n,), jnp.float32),
        mesh=plsc.VectorSubcoreMesh(core_axis_name="c", subcore_axis_name="s"),
        scratch_types=(
            [pltpu.VMEM((_ROW,), jnp.float32)]
            + [pltpu.VMEM((_TILE,), jnp.float32) for _ in range(2 * _NBUF)]
            + [pltpu.SemaphoreType.DMA for _ in range(2 * _NBUF)]
        ),
    )
    return grid_kernel(body)(x1d, pos1d)


def kernel(x, position_embeddings):
    batch, seq_len, d_model = x.shape
    pos = position_embeddings[:seq_len].reshape(seq_len * d_model)
    out = _sc_add(x.reshape(batch * seq_len * d_model), pos)
    return out.reshape(batch, seq_len, d_model)

# --- scband reference (transcript-rebuilt; emitter-appended) ---
"""Pipeline reference for scband-learned-positional-encoding-26482768347234 (READ-ONLY COPY).

The authoritative reference and input builder live on the scoring server;
editing this copy changes nothing except your own understanding.
"""

import jax, jax.numpy as jnp
import numpy as np

MAX_LEN = 200
D_MODEL = 128
BATCH = 4096
SEQ_LEN = 200


def setup_inputs(seed: int = 0) -> dict:
    key = jax.random.key(seed)
    k_x, k_tab = jax.random.split(key)
    x = jax.random.normal(k_x, (BATCH, SEQ_LEN, D_MODEL), dtype=jnp.float32)
    position_embeddings = jax.random.normal(k_tab, (MAX_LEN, D_MODEL), dtype=jnp.float32) * 0.02
    return {"x": x, "position_embeddings": position_embeddings}


def reference(x, position_embeddings):
    batch_size, seq_len, d_model = x.shape
    position_ids = jnp.arange(seq_len, dtype=jnp.int32)
    # gather rows of the learned position table (embedding lookup)
    pos_emb = jnp.take(position_embeddings, position_ids, axis=0)  # [seq_len, d_model]
    # broadcast-add over batch, matching expand(batch_size, -1) + embedding + add
    out = x + pos_emb[None, :, :]
    # dropout is identity in eval mode / p=0.0
    return out

if __name__ == "__main__":
    import jax
    _d = setup_inputs()
    print(jax.jit(kernel)(*tuple(_d.values())))

</pallas_src>

<mosaic_0001>
#map = affine_map<(d0, d1) -> (0)>
module attributes {stable_mosaic.version = 14 : i64} {
  func.func @_lambda_(%arg0: i32, %arg1: i32, %arg2: memref<104857600xf32, #tpu.memory_space<hbm>>, %arg3: memref<25600xf32, #tpu.memory_space<hbm>>, %arg4: memref<104857600xf32, #tpu.memory_space<hbm>>, %arg5: memref<25600xf32, #tpu.memory_space<vmem>>, %arg6: memref<12800xf32, #tpu.memory_space<vmem>>, %arg7: memref<12800xf32, #tpu.memory_space<vmem>>, %arg8: memref<12800xf32, #tpu.memory_space<vmem>>, %arg9: memref<12800xf32, #tpu.memory_space<vmem>>, %arg10: memref<12800xf32, #tpu.memory_space<vmem>>, %arg11: memref<12800xf32, #tpu.memory_space<vmem>>, %arg12: memref<12800xf32, #tpu.memory_space<vmem>>, %arg13: memref<12800xf32, #tpu.memory_space<vmem>>, %arg14: memref<!tpu.dma_semaphore, #tpu.memory_space<semaphore_mem>>, %arg15: memref<!tpu.dma_semaphore, #tpu.memory_space<semaphore_mem>>, %arg16: memref<!tpu.dma_semaphore, #tpu.memory_space<semaphore_mem>>, %arg17: memref<!tpu.dma_semaphore, #tpu.memory_space<semaphore_mem>>, %arg18: memref<!tpu.dma_semaphore, #tpu.memory_space<semaphore_mem>>, %arg19: memref<!tpu.dma_semaphore, #tpu.memory_space<semaphore_mem>>, %arg20: memref<!tpu.dma_semaphore, #tpu.memory_space<semaphore_mem>>, %arg21: memref<!tpu.dma_semaphore, #tpu.memory_space<semaphore_mem>>) attributes {dimension_semantics = [#tpu.dimension_semantics<core_parallel>, #tpu.dimension_semantics<subcore_parallel>], iteration_bounds = array<i64: 2, 16>, scalar_prefetch = 0 : i64, scratch_operands = 17 : i64, tpu.core_type = #tpu.core_type<sc_vector_subcore>, window_params = [{transform_indices = #map}, {transform_indices = #map}, {transform_indices = #map}]} {
    %mul3A = arith.constant 2 : i32
    %mul3A_0 = arith.muli %arg1, %mul3A : i32
    %add3A = arith.addi %mul3A_0, %arg0 : i32
    %mul3A_1 = arith.constant 256 : i32
    %mul3A_2 = arith.muli %add3A, %mul3A_1 : i32
    %mul3A_3 = arith.constant 12800 : i32
    %mul3A_4 = arith.muli %mul3A_2, %mul3A_3 : i32
    "tpu.region"() ({
      %run_scoped3A = tpu.sem_alloc : memref<!tpu.dma_semaphore, #tpu.memory_space<semaphore_mem>>
      tpu.enqueue_dma source(%arg3 : memref<25600xf32, #tpu.memory_space<hbm>>) target(%arg5 : memref<25600xf32, #tpu.memory_space<vmem>>) target_semaphore(%run_scoped3A : memref<!tpu.dma_semaphore, #tpu.memory_space<semaphore_mem>>)
      tpu.wait_dma2 semaphore(%run_scoped3A : memref<!tpu.dma_semaphore, #tpu.memory_space<semaphore_mem>>) src(%arg3 : memref<25600xf32, #tpu.memory_space<hbm>>) dst(%arg5 : memref<25600xf32, #tpu.memory_space<vmem>>)
      tpu.yield
    }) : () -> ()
    %add3A_5 = arith.constant 0 : i32
    %add3A_6 = arith.addi %mul3A_4, %add3A_5 : i32
    %dma_start3A = tpu.memref_slice %arg2[%add3A_6] : memref<104857600xf32, #tpu.memory_space<hbm>> -> memref<12800xf32, #tpu.memory_space<hbm>>
    %dma_start3A_7 = tpu.memref_slice %arg2[%add3A_6] : memref<104857600xf32, #tpu.memory_space<hbm>> -> memref<12800xf32, #tpu.memory_space<hbm>>
    tpu.enqueue_dma source(%dma_start3A_7 : memref<12800xf32, #tpu.memory_space<hbm>>) target(%arg6 : memref<12800xf32, #tpu.memory_space<vmem>>) target_semaphore(%arg14 : memref<!tpu.dma_semaphore, #tpu.memory_space<semaphore_mem>>)
    %add3A_8 = arith.constant 12800 : i32
    %add3A_9 = arith.addi %mul3A_4, %add3A_8 : i32
    %dma_start3A_10 = tpu.memref_slice %arg2[%add3A_9] : memref<104857600xf32, #tpu.memory_space<hbm>> -> memref<12800xf32, #tpu.memory_space<hbm>>
    %dma_start3A_11 = tpu.memref_slice %arg2[%add3A_9] : memref<104857600xf32, #tpu.memory_space<hbm>> -> memref<12800xf32, #tpu.memory_space<hbm>>
    tpu.enqueue_dma source(%dma_start3A_11 : memref<12800xf32, #tpu.memory_space<hbm>>) target(%arg7 : memref<12800xf32, #tpu.memory_space<vmem>>) target_semaphore(%arg15 : memref<!tpu.dma_semaphore, #tpu.memory_space<semaphore_mem>>)
    %add3A_12 = arith.constant 25600 : i32
    %add3A_13 = arith.addi %mul3A_4, %add3A_12 : i32
    %dma_start3A_14 = tpu.memref_slice %arg2[%add3A_13] : memref<104857600xf32, #tpu.memory_space<hbm>> -> memref<12800xf32, #tpu.memory_space<hbm>>
    %dma_start3A_15 = tpu.memref_slice %arg2[%add3A_13] : memref<104857600xf32, #tpu.memory_space<hbm>> -> memref<12800xf32, #tpu.memory_space<hbm>>
    tpu.enqueue_dma source(%dma_start3A_15 : memref<12800xf32, #tpu.memory_space<hbm>>) target(%arg8 : memref<12800xf32, #tpu.memory_space<vmem>>) target_semaphore(%arg16 : memref<!tpu.dma_semaphore, #tpu.memory_space<semaphore_mem>>)
    %add3A_16 = arith.constant 38400 : i32
    %add3A_17 = arith.addi %mul3A_4, %add3A_16 : i32
    %dma_start3A_18 = tpu.memref_slice %arg2[%add3A_17] : memref<104857600xf32, #tpu.memory_space<hbm>> -> memref<12800xf32, #tpu.memory_space<hbm>>
    %dma_start3A_19 = tpu.memref_slice %arg2[%add3A_17] : memref<104857600xf32, #tpu.memory_space<hbm>> -> memref<12800xf32, #tpu.memory_space<hbm>>
    tpu.enqueue_dma source(%dma_start3A_19 : memref<12800xf32, #tpu.memory_space<hbm>>) target(%arg9 : memref<12800xf32, #tpu.memory_space<vmem>>) target_semaphore(%arg17 : memref<!tpu.dma_semaphore, #tpu.memory_space<semaphore_mem>>)
    %scan3A = arith.constant 0 : i32
    %scan3A_20 = arith.constant 0 : i32
    %scan3A_21 = arith.constant 64 : i32
    %scan3A_22 = arith.addi %scan3A_20, %scan3A_21 : i32
    %scan3A_23 = arith.constant 1 : i32
    scf.for %scan3A_40 = %scan3A_20 to %scan3A_22 step %scan3A_23  : i32 {
      %mul3A_41 = arith.constant 4 : i32
      %mul3A_42 = arith.muli %scan3A_40, %mul3A_41 : i32
      %add3A_43 = arith.constant 0 : i32
      %add3A_44 = arith.addi %mul3A_42, %add3A_43 : i32
      %mul3A_45 = arith.constant 12800 : i32
      %mul3A_46 = arith.muli %add3A_44, %mul3A_45 : i32
      %add3A_47 = arith.addi %mul3A_4, %mul3A_46 : i32
      %dma_wait3A_48 = tpu.memref_slice %arg2[%add3A_47] : memref<104857600xf32, #tpu.memory_space<hbm>> -> memref<12800xf32, #tpu.memory_space<hbm>>
      %dma_wait3A_49 = tpu.memref_slice %arg2[%add3A_47] : memref<104857600xf32, #tpu.memory_space<hbm>> -> memref<12800xf32, #tpu.memory_space<hbm>>
      tpu.wait_dma2 semaphore(%arg14 : memref<!tpu.dma_semaphore, #tpu.memory_space<semaphore_mem>>) src(%dma_wait3A_49 : memref<12800xf32, #tpu.memory_space<hbm>>) dst(%arg6 : memref<12800xf32, #tpu.memory_space<vmem>>)
      %ge3A = arith.constant 1 : i32
      %ge3A_50 = arith.cmpi sge, %scan3A_40, %ge3A : i32
      %convert_element_type3A = arith.extui %ge3A_50 : i1 to i32
      %cond3A = arith.constant 0 : i32
      %cond3A_51 = arith.cmpi ne, %convert_element_type3A, %cond3A : i32
      scf.if %cond3A_51 {
        %sub3A = arith.constant 4 : i32
        %sub3A_135 = arith.subi %add3A_44, %sub3A : i32
        %mul3A_136 = arith.constant 12800 : i32
        %mul3A_137 = arith.muli %sub3A_135, %mul3A_136 : i32
        %add3A_138 = arith.addi %mul3A_4, %mul3A_137 : i32
        %dma_wait3A_139 = tpu.memref_slice %arg4[%add3A_138] : memref<104857600xf32, #tpu.memory_space<hbm>> -> memref<12800xf32, #tpu.memory_space<hbm>>
        %dma_wait3A_140 = tpu.memref_slice %arg4[%add3A_138] : memref<104857600xf32, #tpu.memory_space<hbm>> -> memref<12800xf32, #tpu.memory_space<hbm>>
        tpu.wait_dma2 semaphore(%arg18 : memref<!tpu.dma_semaphore, #tpu.memory_space<semaphore_mem>>) src(%arg10 : memref<12800xf32, #tpu.memory_space<vmem>>) dst(%dma_wait3A_140 : memref<12800xf32, #tpu.memory_space<hbm>>)
      } else {
      }
      %mul3A_52 = arith.constant 12800 : i32
      %mul3A_53 = arith.muli %add3A_44, %mul3A_52 : i32
      %add3A_54 = arith.addi %mul3A_4, %mul3A_53 : i32
      %dma_start3A_55 = tpu.memref_slice %arg4[%add3A_54] : memref<104857600xf32, #tpu.memory_space<hbm>> -> memref<12800xf32, #tpu.memory_space<hbm>>
      %dma_start3A_56 = tpu.memref_slice %arg4[%add3A_54] : memref<104857600xf32, #tpu.memory_space<hbm>> -> memref<12800xf32, #tpu.memory_space<hbm>>
      tpu.enqueue_dma source(%arg6 : memref<12800xf32, #tpu.memory_space<vmem>>) target(%dma_start3A_56 : memref<12800xf32, #tpu.memory_space<hbm>>) target_semaphore(%arg18 : memref<!tpu.dma_semaphore, #tpu.memory_space<semaphore_mem>>)
      %add3A_57 = arith.constant 4 : i32
      %add3A_58 = arith.addi %add3A_44, %add3A_57 : i32
      %lt3A = arith.constant 256 : i32
      %lt3A_59 = arith.cmpi slt, %add3A_58, %lt3A : i32
      %convert_element_type3A_60 = arith.extui %lt3A_59 : i1 to i32
      %cond3A_61 = arith.constant 0 : i32
      %cond3A_62 = arith.cmpi ne, %convert_element_type3A_60, %cond3A_61 : i32
      scf.if %cond3A_62 {
        %add3A_135 = arith.constant 4 : i32
        %add3A_136 = arith.addi %add3A_44, %add3A_135 : i32
        %mul3A_137 = arith.constant 12800 : i32
        %mul3A_138 = arith.muli %add3A_136, %mul3A_137 : i32
        %add3A_139 = arith.addi %mul3A_4, %mul3A_138 : i32
        %dma_start3A_140 = tpu.memref_slice %arg2[%add3A_139] : memref<104857600xf32, #tpu.memory_space<hbm>> -> memref<12800xf32, #tpu.memory_space<hbm>>
        %dma_start3A_141 = tpu.memref_slice %arg2[%add3A_139] : memref<104857600xf32, #tpu.memory_space<hbm>> -> memref<12800xf32, #tpu.memory_space<hbm>>
        tpu.enqueue_dma source(%dma_start3A_141 : memref<12800xf32, #tpu.memory_space<hbm>>) target(%arg6 : memref<12800xf32, #tpu.memory_space<vmem>>) target_semaphore(%arg14 : memref<!tpu.dma_semaphore, #tpu.memory_space<semaphore_mem>>)
      } else {
      }
      %add3A_63 = arith.constant 1 : i32
      %add3A_64 = arith.addi %mul3A_42, %add3A_63 : i32
      %mul3A_65 = arith.constant 12800 : i32
      %mul3A_66 = arith.muli %add3A_64, %mul3A_65 : i32
      %add3A_67 = arith.addi %mul3A_4, %mul3A_66 : i32
      %dma_wait3A_68 = tpu.memref_slice %arg2[%add3A_67] : memref<104857600xf32, #tpu.memory_space<hbm>> -> memref<12800xf32, #tpu.memory_space<hbm>>
      %dma_wait3A_69 = tpu.memref_slice %arg2[%add3A_67] : memref<104857600xf32, #tpu.memory_space<hbm>> -> memref<12800xf32, #tpu.memory_space<hbm>>
      tpu.wait_dma2 semaphore(%arg15 : memref<!tpu.dma_semaphore, #tpu.memory_space<semaphore_mem>>) src(%dma_wait3A_69 : memref<12800xf32, #tpu.memory_space<hbm>>) dst(%arg7 : memref<12800xf32, #tpu.memory_space<vmem>>)
      %ge3A_70 = arith.constant 1 : i32
      %ge3A_71 = arith.cmpi sge, %scan3A_40, %ge3A_70 : i32
      %convert_element_type3A_72 = arith.extui %ge3A_71 : i1 to i32
      %cond3A_73 = arith.constant 0 : i32
      %cond3A_74 = arith.cmpi ne, %convert_element_type3A_72, %cond3A_73 : i32
      scf.if %cond3A_74 {
        %sub3A = arith.constant 4 : i32
        %sub3A_135 = arith.subi %add3A_64, %sub3A : i32
        %mul3A_136 = arith.constant 12800 : i32
        %mul3A_137 = arith.muli %sub3A_135, %mul3A_136 : i32
        %add3A_138 = arith.addi %mul3A_4, %mul3A_137 : i32
        %dma_wait3A_139 = tpu.memref_slice %arg4[%add3A_138] : memref<104857600xf32, #tpu.memory_space<hbm>> -> memref<12800xf32, #tpu.memory_space<hbm>>
        %dma_wait3A_140 = tpu.memref_slice %arg4[%add3A_138] : memref<104857600xf32, #tpu.memory_space<hbm>> -> memref<12800xf32, #tpu.memory_space<hbm>>
        tpu.wait_dma2 semaphore(%arg19 : memref<!tpu.dma_semaphore, #tpu.memory_space<semaphore_mem>>) src(%arg11 : memref<12800xf32, #tpu.memory_space<vmem>>) dst(%dma_wait3A_140 : memref<12800xf32, #tpu.memory_space<hbm>>)
      } else {
      }
      %mul3A_75 = arith.constant 12800 : i32
      %mul3A_76 = arith.muli %add3A_64, %mul3A_75 : i32
      %add3A_77 = arith.addi %mul3A_4, %mul3A_76 : i32
      %dma_start3A_78 = tpu.memref_slice %arg4[%add3A_77] : memref<104857600xf32, #tpu.memory_space<hbm>> -> memref<12800xf32, #tpu.memory_space<hbm>>
      %dma_start3A_79 = tpu.memref_slice %arg4[%add3A_77] : memref<104857600xf32, #tpu.memory_space<hbm>> -> memref<12800xf32, #tpu.memory_space<hbm>>
      tpu.enqueue_dma source(%arg7 : memref<12800xf32, #tpu.memory_space<vmem>>) target(%dma_start3A_79 : memref<12800xf32, #tpu.memory_space<hbm>>) target_semaphore(%arg19 : memref<!tpu.dma_semaphore, #tpu.memory_space<semaphore_mem>>)
      %add3A_80 = arith.constant 4 : i32
      %add3A_81 = arith.addi %add3A_64, %add3A_80 : i32
      %lt3A_82 = arith.constant 256 : i32
      %lt3A_83 = arith.cmpi slt, %add3A_81, %lt3A_82 : i32
      %convert_element_type3A_84 = arith.extui %lt3A_83 : i1 to i32
      %cond3A_85 = arith.constant 0 : i32
      %cond3A_86 = arith.cmpi ne, %convert_element_type3A_84, %cond3A_85 : i32
      scf.if %cond3A_86 {
        %add3A_135 = arith.constant 4 : i32
        %add3A_136 = arith.addi %add3A_64, %add3A_135 : i32
        %mul3A_137 = arith.constant 12800 : i32
        %mul3A_138 = arith.muli %add3A_136, %mul3A_137 : i32
        %add3A_139 = arith.addi %mul3A_4, %mul3A_138 : i32
        %dma_start3A_140 = tpu.memref_slice %arg2[%add3A_139] : memref<104857600xf32, #tpu.memory_space<hbm>> -> memref<12800xf32, #tpu.memory_space<hbm>>
        %dma_start3A_141 = tpu.memref_slice %arg2[%add3A_139] : memref<104857600xf32, #tpu.memory_space<hbm>> -> memref<12800xf32, #tpu.memory_space<hbm>>
        tpu.enqueue_dma source(%dma_start3A_141 : memref<12800xf32, #tpu.memory_space<hbm>>) target(%arg7 : memref<12800xf32, #tpu.memory_space<vmem>>) target_semaphore(%arg15 : memref<!tpu.dma_semaphore, #tpu.memory_space<semaphore_mem>>)
      } else {
      }
      %add3A_87 = arith.constant 2 : i32
      %add3A_88 = arith.addi %mul3A_42, %add3A_87 : i32
      %mul3A_89 = arith.constant 12800 : i32
      %mul3A_90 = arith.muli %add3A_88, %mul3A_89 : i32
      %add3A_91 = arith.addi %mul3A_4, %mul3A_90 : i32
      %dma_wait3A_92 = tpu.memref_slice %arg2[%add3A_91] : memref<104857600xf32, #tpu.memory_space<hbm>> -> memref<12800xf32, #tpu.memory_space<hbm>>
      %dma_wait3A_93 = tpu.memref_slice %arg2[%add3A_91] : memref<104857600xf32, #tpu.memory_space<hbm>> -> memref<12800xf32, #tpu.memory_space<hbm>>
      tpu.wait_dma2 semaphore(%arg16 : memref<!tpu.dma_semaphore, #tpu.memory_space<semaphore_mem>>) src(%dma_wait3A_93 : memref<12800xf32, #tpu.memory_space<hbm>>) dst(%arg8 : memref<12800xf32, #tpu.memory_space<vmem>>)
      %ge3A_94 = arith.constant 1 : i32
      %ge3A_95 = arith.cmpi sge, %scan3A_40, %ge3A_94 : i32
      %convert_element_type3A_96 = arith.extui %ge3A_95 : i1 to i32
      %cond3A_97 = arith.constant 0 : i32
      %cond3A_98 = arith.cmpi ne, %convert_element_type3A_96, %cond3A_97 : i32
      scf.if %cond3A_98 {
        %sub3A = arith.constant 4 : i32
        %sub3A_135 = arith.subi %add3A_88, %sub3A : i32
        %mul3A_136 = arith.constant 12800 : i32
        %mul3A_137 = arith.muli %sub3A_135, %mul3A_136 : i32
        %add3A_138 = arith.addi %mul3A_4, %mul3A_137 : i32
        %dma_wait3A_139 = tpu.memref_slice %arg4[%add3A_138] : memref<104857600xf32, #tpu.memory_space<hbm>> -> memref<12800xf32, #tpu.memory_space<hbm>>
        %dma_wait3A_140 = tpu.memref_slice %arg4[%add3A_138] : memref<104857600xf32, #tpu.memory_space<hbm>> -> memref<12800xf32, #tpu.memory_space<hbm>>
        tpu.wait_dma2 semaphore(%arg20 : memref<!tpu.dma_semaphore, #tpu.memory_space<semaphore_mem>>) src(%arg12 : memref<12800xf32, #tpu.memory_space<vmem>>) dst(%dma_wait3A_140 : memref<12800xf32, #tpu.memory_space<hbm>>)
      } else {
      }
      %mul3A_99 = arith.constant 12800 : i32
      %mul3A_100 = arith.muli %add3A_88, %mul3A_99 : i32
      %add3A_101 = arith.addi %mul3A_4, %mul3A_100 : i32
      %dma_start3A_102 = tpu.memref_slice %arg4[%add3A_101] : memref<104857600xf32, #tpu.memory_space<hbm>> -> memref<12800xf32, #tpu.memory_space<hbm>>
      %dma_start3A_103 = tpu.memref_slice %arg4[%add3A_101] : memref<104857600xf32, #tpu.memory_space<hbm>> -> memref<12800xf32, #tpu.memory_space<hbm>>
      tpu.enqueue_dma source(%arg8 : memref<12800xf32, #tpu.memory_space<vmem>>) target(%dma_start3A_103 : memref<12800xf32, #tpu.memory_space<hbm>>) target_semaphore(%arg20 : memref<!tpu.dma_semaphore, #tpu.memory_space<semaphore_mem>>)
      %add3A_104 = arith.constant 4 : i32
      %add3A_105 = arith.addi %add3A_88, %add3A_104 : i32
      %lt3A_106 = arith.constant 256 : i32
      %lt3A_107 = arith.cmpi slt, %add3A_105, %lt3A_106 : i32
      %convert_element_type3A_108 = arith.extui %lt3A_107 : i1 to i32
      %cond3A_109 = arith.constant 0 : i32
      %cond3A_110 = arith.cmpi ne, %convert_element_type3A_108, %cond3A_109 : i32
      scf.if %cond3A_110 {
        %add3A_135 = arith.constant 4 : i32
        %add3A_136 = arith.addi %add3A_88, %add3A_135 : i32
        %mul3A_137 = arith.constant 12800 : i32
        %mul3A_138 = arith.muli %add3A_136, %mul3A_137 : i32
        %add3A_139 = arith.addi %mul3A_4, %mul3A_138 : i32
        %dma_start3A_140 = tpu.memref_slice %arg2[%add3A_139] : memref<104857600xf32, #tpu.memory_space<hbm>> -> memref<12800xf32, #tpu.memory_space<hbm>>
        %dma_start3A_141 = tpu.memref_slice %arg2[%add3A_139] : memref<104857600xf32, #tpu.memory_space<hbm>> -> memref<12800xf32, #tpu.memory_space<hbm>>
        tpu.enqueue_dma source(%dma_start3A_141 : memref<12800xf32, #tpu.memory_space<hbm>>) target(%arg8 : memref<12800xf32, #tpu.memory_space<vmem>>) target_semaphore(%arg16 : memref<!tpu.dma_semaphore, #tpu.memory_space<semaphore_mem>>)
      } else {
      }
      %add3A_111 = arith.constant 3 : i32
      %add3A_112 = arith.addi %mul3A_42, %add3A_111 : i32
      %mul3A_113 = arith.constant 12800 : i32
      %mul3A_114 = arith.muli %add3A_112, %mul3A_113 : i32
      %add3A_115 = arith.addi %mul3A_4, %mul3A_114 : i32
      %dma_wait3A_116 = tpu.memref_slice %arg2[%add3A_115] : memref<104857600xf32, #tpu.memory_space<hbm>> -> memref<12800xf32, #tpu.memory_space<hbm>>
      %dma_wait3A_117 = tpu.memref_slice %arg2[%add3A_115] : memref<104857600xf32, #tpu.memory_space<hbm>> -> memref<12800xf32, #tpu.memory_space<hbm>>
      tpu.wait_dma2 semaphore(%arg17 : memref<!tpu.dma_semaphore, #tpu.memory_space<semaphore_mem>>) src(%dma_wait3A_117 : memref<12800xf32, #tpu.memory_space<hbm>>) dst(%arg9 : memref<12800xf32, #tpu.memory_space<vmem>>)
      %ge3A_118 = arith.constant 1 : i32
      %ge3A_119 = arith.cmpi sge, %scan3A_40, %ge3A_118 : i32
      %convert_element_type3A_120 = arith.extui %ge3A_119 : i1 to i32
      %cond3A_121 = arith.constant 0 : i32
      %cond3A_122 = arith.cmpi ne, %convert_element_type3A_120, %cond3A_121 : i32
      scf.if %cond3A_122 {
        %sub3A = arith.constant 4 : i32
        %sub3A_135 = arith.subi %add3A_112, %sub3A : i32
        %mul3A_136 = arith.constant 12800 : i32
        %mul3A_137 = arith.muli %sub3A_135, %mul3A_136 : i32
        %add3A_138 = arith.addi %mul3A_4, %mul3A_137 : i32
        %dma_wait3A_139 = tpu.memref_slice %arg4[%add3A_138] : memref<104857600xf32, #tpu.memory_space<hbm>> -> memref<12800xf32, #tpu.memory_space<hbm>>
        %dma_wait3A_140 = tpu.memref_slice %arg4[%add3A_138] : memref<104857600xf32, #tpu.memory_space<hbm>> -> memref<12800xf32, #tpu.memory_space<hbm>>
        tpu.wait_dma2 semaphore(%arg21 : memref<!tpu.dma_semaphore, #tpu.memory_space<semaphore_mem>>) src(%arg13 : memref<12800xf32, #tpu.memory_space<vmem>>) dst(%dma_wait3A_140 : memref<12800xf32, #tpu.memory_space<hbm>>)
      } else {
      }
      %mul3A_123 = arith.constant 12800 : i32
      %mul3A_124 = arith.muli %add3A_112, %mul3A_123 : i32
      %add3A_125 = arith.addi %mul3A_4, %mul3A_124 : i32
      %dma_start3A_126 = tpu.memref_slice %arg4[%add3A_125] : memref<104857600xf32, #tpu.memory_space<hbm>> -> memref<12800xf32, #tpu.memory_space<hbm>>
      %dma_start3A_127 = tpu.memref_slice %arg4[%add3A_125] : memref<104857600xf32, #tpu.memory_space<hbm>> -> memref<12800xf32, #tpu.memory_space<hbm>>
      tpu.enqueue_dma source(%arg9 : memref<12800xf32, #tpu.memory_space<vmem>>) target(%dma_start3A_127 : memref<12800xf32, #tpu.memory_space<hbm>>) target_semaphore(%arg21 : memref<!tpu.dma_semaphore, #tpu.memory_space<semaphore_mem>>)
      %add3A_128 = arith.constant 4 : i32
      %add3A_129 = arith.addi %add3A_112, %add3A_128 : i32
      %lt3A_130 = arith.constant 256 : i32
      %lt3A_131 = arith.cmpi slt, %add3A_129, %lt3A_130 : i32
      %convert_element_type3A_132 = arith.extui %lt3A_131 : i1 to i32
      %cond3A_133 = arith.constant 0 : i32
      %cond3A_134 = arith.cmpi ne, %convert_element_type3A_132, %cond3A_133 : i32
      scf.if %cond3A_134 {
        %add3A_135 = arith.constant 4 : i32
        %add3A_136 = arith.addi %add3A_112, %add3A_135 : i32
        %mul3A_137 = arith.constant 12800 : i32
        %mul3A_138 = arith.muli %add3A_136, %mul3A_137 : i32
        %add3A_139 = arith.addi %mul3A_4, %mul3A_138 : i32
        %dma_start3A_140 = tpu.memref_slice %arg2[%add3A_139] : memref<104857600xf32, #tpu.memory_space<hbm>> -> memref<12800xf32, #tpu.memory_space<hbm>>
        %dma_start3A_141 = tpu.memref_slice %arg2[%add3A_139] : memref<104857600xf32, #tpu.memory_space<hbm>> -> memref<12800xf32, #tpu.memory_space<hbm>>
        tpu.enqueue_dma source(%dma_start3A_141 : memref<12800xf32, #tpu.memory_space<hbm>>) target(%arg9 : memref<12800xf32, #tpu.memory_space<vmem>>) target_semaphore(%arg17 : memref<!tpu.dma_semaphore, #tpu.memory_space<semaphore_mem>>)
      } else {
      }
    }
    %scan3A_24 = arith.constant 64 : i32
    %add3A_25 = arith.constant 3225600 : i32
    %add3A_26 = arith.addi %mul3A_4, %add3A_25 : i32
    %dma_wait3A = tpu.memref_slice %arg4[%add3A_26] : memref<104857600xf32, #tpu.memory_space<hbm>> -> memref<12800xf32, #tpu.memory_space<hbm>>
    %dma_wait3A_27 = tpu.memref_slice %arg4[%add3A_26] : memref<104857600xf32, #tpu.memory_space<hbm>> -> memref<12800xf32, #tpu.memory_space<hbm>>
    tpu.wait_dma2 semaphore(%arg18 : memref<!tpu.dma_semaphore, #tpu.memory_space<semaphore_mem>>) src(%arg10 : memref<12800xf32, #tpu.memory_space<vmem>>) dst(%dma_wait3A_27 : memref<12800xf32, #tpu.memory_space<hbm>>)
    %add3A_28 = arith.constant 3238400 : i32
    %add3A_29 = arith.addi %mul3A_4, %add3A_28 : i32
    %dma_wait3A_30 = tpu.memref_slice %arg4[%add3A_29] : memref<104857600xf32, #tpu.memory_space<hbm>> -> memref<12800xf32, #tpu.memory_space<hbm>>
    %dma_wait3A_31 = tpu.memref_slice %arg4[%add3A_29] : memref<104857600xf32, #tpu.memory_space<hbm>> -> memref<12800xf32, #tpu.memory_space<hbm>>
    tpu.wait_dma2 semaphore(%arg19 : memref<!tpu.dma_semaphore, #tpu.memory_space<semaphore_mem>>) src(%arg11 : memref<12800xf32, #tpu.memory_space<vmem>>) dst(%dma_wait3A_31 : memref<12800xf32, #tpu.memory_space<hbm>>)
    %add3A_32 = arith.constant 3251200 : i32
    %add3A_33 = arith.addi %mul3A_4, %add3A_32 : i32
    %dma_wait3A_34 = tpu.memref_slice %arg4[%add3A_33] : memref<104857600xf32, #tpu.memory_space<hbm>> -> memref<12800xf32, #tpu.memory_space<hbm>>
    %dma_wait3A_35 = tpu.memref_slice %arg4[%add3A_33] : memref<104857600xf32, #tpu.memory_space<hbm>> -> memref<12800xf32, #tpu.memory_space<hbm>>
    tpu.wait_dma2 semaphore(%arg20 : memref<!tpu.dma_semaphore, #tpu.memory_space<semaphore_mem>>) src(%arg12 : memref<12800xf32, #tpu.memory_space<vmem>>) dst(%dma_wait3A_35 : memref<12800xf32, #tpu.memory_space<hbm>>)
    %add3A_36 = arith.constant 3264000 : i32
    %add3A_37 = arith.addi %mul3A_4, %add3A_36 : i32
    %dma_wait3A_38 = tpu.memref_slice %arg4[%add3A_37] : memref<104857600xf32, #tpu.memory_space<hbm>> -> memref<12800xf32, #tpu.memory_space<hbm>>
    %dma_wait3A_39 = tpu.memref_slice %arg4[%add3A_37] : memref<104857600xf32, #tpu.memory_space<hbm>> -> memref<12800xf32, #tpu.memory_space<hbm>>
    tpu.wait_dma2 semaphore(%arg21 : memref<!tpu.dma_semaphore, #tpu.memory_space<semaphore_mem>>) src(%arg13 : memref<12800xf32, #tpu.memory_space<vmem>>) dst(%dma_wait3A_39 : memref<12800xf32, #tpu.memory_space<hbm>>)
    return
  }
}

</mosaic_0001>

<sc_bundles>
// kernel: kernel.3.cloned.1.call-start
scs
__scs_entry_jumppad:
0x0: {  	(pc) =	sbr.rel $0x88, $3  }
0x1: {  	(tag) =	ssettag $0x0;
	lr =	simm.s32 $0x1  }
0x2: {  	[smem:$0x3F9F] =	sst lr;
	_ =	strace $0xD0000000  }
0x3: {  	_ = 	snop  }
0x4: {  	_ = 	snop  }
0x5: {  	_ = 	snop  }
0x6: {  	_ = 	snop  }
0x7: {  	_ = 	snop  }
__scs_overlays_trampoline_lowered:
0x8: {  	[smem:$0x3FAE] =	sst s0  }
0x9: {  	[smem:$0x3FAF] =	sst s1  }
0xa: {  	[smem:$0x3FB0] =	sst s2  }
0xb: {  	[smem:$0x3FB1] =	sst s3  }
0xc: {  	[smem:$0x3FB2] =	sst s4  }
0xd: {  	[smem:$0x3FB3] =	sst s5  }
0xe: {  	[smem:$0x3FB4] =	sst s6  }
0xf: {  	[smem:$0x3FB5] =	sst s7  }
0x10: {  	[smem:$0x3FB6] =	sst s8  }
0x11: {  	[smem:$0x3FB7] =	sst s9;
	s0 =	simm.s32 @!p0 $0x0  }
0x12: {  	s1 =	sld [smem:$0x3F9D];
	s0 =	simm.s32 @p0 $0x1  }
0x13: {  	[smem:$0x3FB8] =	sst s0;
	s0 =	simm.s32 @!p1 $0x0  }
0x14: {  	s2 =	sld [smem:$0x3F9C];
	s0 =	simm.s32 @p1 $0x1  }
0x15: {  	[smem:$0x3FB9] =	sst s0;
	s0 =	simm.s32 @!p2 $0x0  }
0x16: {  	s3 =	sld [smem:$0x3FDB];
	s0 =	simm.s32 @p2 $0x1  }
0x17: {  	s4 =	simm.s32 $0x1BF5;
	[smem:$0x3FBB] =	sst s0  }
0x18: {  	s0 =	sld [smem:$0x3F9E];
	_ =	swait.ge [sflag:s4], $0x0  }
0x19: {  	s7 =	sld [smem:$0x3F9F]  }
0x1a: {  	s8 =	sadd.s32 $0xFFFFE003, lr  }
0x1b: {  	s9 =	sadd.s32 $0xFFFFFEF7, lr;
	s5 =	simm.s32 $0xFFFFFFFF;
	p2 =	slt.u32 s8, $0xFFFFF086  }
0x1c: {  	p1 =	slt.u32 s9, $0xF7A;
	s5 =	simm.s32 @!p2 $0x0  }
0x1d: {  	s5 =	simm.s32 @p1 $0x1;
	p0 =	seq.s32 s7, s2  }
0x1e: {  	s7 =	smul.u32 @!p0 $0xF7A, s2;
	p2 =	seq.s32 @!p0 s5, $0x0  }
0x1f: {  	s9 =	smul.u32 $0xF7A, s1;
	s8 =	simm.s32 @!p0 $0x1BF5;
	p2 =	por !p2, p0  }
0x20: {  	[sflag:s8] =	ssyncset.s32 @!p0 $0xFFFFF086;
	s6 =	sadd.s32 @!p0 s3, s7;
	s7 =	simm.s32 @!p0 $0x108  }
0x21: {  	s3 =	sadd.s32 s3, s9;
	s6 =	sadd.s32 @!p0 $0x88, s6;
	s7 =	simm.s32 @p2 $0x1082  }
0x22: {  	[simem:s7], [sflag:s8] =	dma.local @!p0 [hbm:s6], $0xF7A  }
0x23: {  	s9 =	sor.u32 $0xD0000000, s2;
	s6 =	simm.s32 $0x108;
	_ =	swait.ge @!p0 [sflag:s8], $0x0  }
0x24: {  	s3 =	sadd.s32 $0x88, s3;
	s6 =	simm.s32 @!p1 $0x1082;
	[sflag:s4] =	ssyncset.s32 $0xFFFFF086  }
0x25: {  	[simem:s6], [sflag:s4] =	dma.local [hbm:s3], $0xF7A  }
0x26: {  	[smem:$0x3F9F] =	sst s1;
	(tag) =	ssettag s2;
	_ =	strace s9  }
0x27: {  	s1 =	sld [smem:$0x3FAF]  }
0x28: {  	s2 =	sld [smem:$0x3FB0]  }
0x29: {  	s4 =	sld [smem:$0x3FB2]  }
0x2a: {  	p0 =	seq.s32 s5, $0x0;
	s5 =	sld [smem:$0x3FB3]  }
0x2b: {  	s6 =	sld [smem:$0x3FB4]  }
0x2c: {  	s7 =	sld [smem:$0x3FB5]  }
0x2d: {  	s3 =	simm.s32 $0x108;
	s8 =	sld [smem:$0x3FB6]  }
0x2e: {  	s3 =	simm.s32 @!p0 $0x1082;
	s9 =	sld [smem:$0x3FB7]  }
0x2f: {  	lr =	sadd.s32 s0, s3;
	s0 =	sld [smem:$0x3FAE]  }
0x30: {  	s3 =	sld [smem:$0x3FB1]  }
0x31: {  	[smem:$0x3FBA] =	sst s10  }
0x32: {  	s10 =	sld [smem:$0x3FB8];
	_ =	sdelay $0x3  }
0x33: {  	p0 =	seq.s32 s10, $0x1;
	s10 =	sld [smem:$0x3FBA];
	_ =	sdelay $0x3  }
0x34: {  	[smem:$0x3FBA] =	sst s10  }
0x35: {  	s10 =	sld [smem:$0x3FB9];
	_ =	sdelay $0x3  }
0x36: {  	p1 =	seq.s32 s10, $0x1;
	s10 =	sld [smem:$0x3FBA];
	_ =	sdelay $0x3  }
0x37: {  	[smem:$0x3FBA] =	sst s10  }
0x38: {  	s10 =	sld [smem:$0x3FBB]  }
0x39: {  	_ = 	snop;
	(pc) =	sbr.ind lr, $3  }
0x3a: {  	_ = 	snop  }
0x3b: {  	_ = 	snop  }
0x3c: {  	p2 =	seq.s32 s10, $0x1;
	s10 =	sld [smem:$0x3FBA]  }
0x3d: {  	_ =	shalt  }
0x3e: {  	_ =	shalt  }
0x3f: {  	_ =	shalt  }
0x40: {  	_ =	shalt  }
0x41: {  	_ =	shalt  }
0x42: {  	_ =	shalt  }
0x43: {  	_ =	shalt  }
0x44: {  	_ =	shalt  }
0x45: {  	_ =	shalt  }
0x46: {  	_ =	shalt  }
0x47: {  	_ =	shalt  }
0x48: {  	_ =	shalt  }
0x49: {  	_ =	shalt  }
0x4a: {  	_ =	shalt  }
0x4b: {  	_ =	shalt  }
0x4c: {  	_ =	shalt  }
0x4d: {  	_ =	shalt  }
0x4e: {  	_ =	shalt  }
0x4f: {  	_ =	shalt  }
0x50: {  	_ =	shalt  }
0x51: {  	_ =	shalt  }
0x52: {  	_ =	shalt  }
0x53: {  	_ =	shalt  }
0x54: {  	_ =	shalt  }
0x55: {  	_ =	shalt  }
0x56: {  	_ =	shalt  }
0x57: {  	_ =	shalt  }
0x58: {  	_ =	shalt  }
0x59: {  	_ =	shalt  }
0x5a: {  	_ =	shalt  }
0x5b: {  	_ =	shalt  }
0x5c: {  	_ =	shalt  }
0x5d: {  	_ =	shalt  }
0x5e: {  	_ =	shalt  }
0x5f: {  	_ =	shalt  }
0x60: {  	_ =	shalt  }
0x61: {  	_ =	shalt  }
0x62: {  	_ =	shalt  }
0x63: {  	_ =	shalt  }
0x64: {  	_ =	shalt  }
0x65: {  	_ =	shalt  }
0x66: {  	_ =	shalt  }
0x67: {  	_ =	shalt  }
0x68: {  	_ =	shalt  }
0x69: {  	_ =	shalt  }
0x6a: {  	_ =	shalt  }
0x6b: {  	_ =	shalt  }
0x6c: {  	_ =	shalt  }
0x6d: {  	_ =	shalt  }
0x6e: {  	_ =	shalt  }
0x6f: {  	_ =	shalt  }
0x70: {  	_ =	shalt  }
0x71: {  	_ =	shalt  }
0x72: {  	_ =	shalt  }
0x73: {  	_ =	shalt  }
0x74: {  	_ =	shalt  }
0x75: {  	_ =	shalt  }
0x76: {  	_ =	shalt  }
0x77: {  	_ =	shalt  }
0x78: {  	_ =	shalt  }
0x79: {  	_ =	shalt  }
0x7a: {  	_ =	shalt  }
0x7b: {  	_ =	shalt  }
0x7c: {  	_ =	shalt  }
0x7d: {  	_ =	shalt  }
0x7e: {  	_ =	shalt  }
0x7f: {  	_ =	shalt  }
0x80: {  	_ =	shalt  }
0x81: {  	_ =	shalt  }
0x82: {  	_ =	shalt  }
0x83: {  	_ =	shalt  }
0x84: {  	_ =	shalt  }
0x85: {  	_ =	shalt  }
0x86: {  	_ =	shalt  }
0x87: {  	_ =	shalt  }
.Lfunc_end0:
.L_simem_size_0:
called_computation_lowered:
.L_overlay_start_0:
0x88: {  	s2 =	sld [smem:$0x3FD9]  }
0x89: {  	s3 =	sld [smem:$0x3FFE];
	_ =	sdelay $0x1  }
0x8a: {  	s1 =	srdreg.scid  }
0x8b: {  	s0 =	sand.u32 $0x1, s1  }
0x8c: {  	s18 =	sshll.u32 s0, $0xA;
	s2 =	sadd.s32 s3, s2  }
0x8d: {  	s2 =	sadd.s32 s2, s18  }
0x8e: {  	[smem:$0x3FC6] =	sst s2  }
0x8f: {  	_ = 	snop  }
0x90: {  	s2 =	sld [smem:$0x3FC9]  }
0x91: {  	s19 =	sld [smem:$0x3FC8]  }
0x92: {  	s4 =	sld [smem:$0x3FD0];
	(tm) =	ssettm $0x1  }
0x93: {  	s5 =	sld [smem:$0x3FFB];
	_ =	sdelay $0x3  }
0x94: {  	_ =	strace s5  }
0x95: {  	s5 =	sld [smem:$0x3FFC];
	_ =	sdelay $0x3  }
0x96: {  	_ =	strace s5  }
0x97: {  	s5 =	sld [smem:$0x3FFD];
	_ =	sdelay $0x3  }
0x98: {  	_ =	strace s5  }
0x99: {  	_ =	strace $0x8FFFFFFF  }
0x9a: {  	s20 =	sld [smem:$0x3FDB];
	_ =	sdelay $0x1  }
0x9b: {  	s6 =	simm.s32 $_scs_section_size  }
0x9c: {  	s7 =	simm.s32 $_size__tile_overlayer_lowered;
	s8 =	simm.s32 $_tile_overlayer_lowered  }
0x9d: {  	s23 =	simm.s32 $0x1BFF;
	s22 =	sshll.u32 s8, $0x1;
	s5 =	sadd.s32 s6, s20  }
0x9e: {  	s9 =	simm.s32 $0x0;
	s21 =	sshll.u32 s7, $0x1;
	s7 =	sadd.s32 s22, s5  }
0x9f: {  	[timem:s9], [sflag:s23] =	dma.local [hbm:s7], s21  }
0xa0: {  	_ =	swait.ge [sflag:s23], s21  }
0xa1: {  	s6 =	ssub.s32 $0x0, s21;
	[sflag:s23] =	ssyncset.done $0x0  }
0xa2: {  	[sflag:s23] =	ssyncadd.s32 s6;
	_ =	sdelay $0x1  }
0xa3: {  	s24 =	simm.s32 $0x1B8B  }
0xa4: {  	_ =	swait.ge [sflag:s24], $0x1  }
0xa5: {  	[sflag:s24] =	ssyncset.done $0x0  }
0xa6: {  	s25 =	simm.s32 $0x1B8E;
	[sflag:s24] =	ssyncadd.s32 $0xFFFFFFFF  }
0xa7: {  	s26 =	simm.s32 $execute0_lowered;
	[smem:$0x3FD2] =	sst s25  }
0xa8: {  	s6 =	sshll.u32 s26, $0x1;
	_ =	strace $0x80000046;
	[dreg:$0x1] =	wrdreg $0xFFFFFFFF  }
0xa9: {  	s28 =	simm.s32 $_size_execute0_lowered;
	s5 =	sadd.s32 s5, s6;
	[dreg:$0x0] =	wrdreg $0x0  }
0xaa: {  	s6 =	sshll.u32 s28, $0x1;
	[dreg:$0x2] =	wrdreg s5  }
0xab: {  	[dreg:$0x3] =	wrdreg s6  }
0xac: {  	[dreg:$0x4] =	wrdreg $0xC0  }
0xad: {  	_ =	task [dreg:s9], $0x5FFFF  }
0xae: {  	[dreg:$0x1] =	wrdreg $0xFFFFFFFF  }
0xaf: {  	[dreg:$0x0] =	wrdreg $0x60  }
0xb0: {  	[dreg:$0x2] =	wrdreg s2  }
0xb1: {  	[dreg:$0x3] =	wrdreg s19  }
0xb2: {  	[dreg:$0x4] =	wrdreg s4  }
0xb3: {  	[dreg:$0x5] =	wrdreg $0x9  }
0xb4: {  	_ =	task.clear_ibuf [dreg:s9], $0x6FFFF;
	_ =	strace $0x90000046  }
0xb5: {  	s29 =	simm.s32 $0x9;
	_ =	strace $0x80000048  }
0xb6: {  	_ =	swait.ge [sflag:s29], $0x1  }
0xb7: {  	[sflag:s29] =	ssyncadd.s32 $0xFFFFFFFF  }
0xb8: {  	_ =	strace $0x90000048  }
0xb9: {  	_ =	sfence  }
0xba: {  	s30 =	sld [smem:$0x0];
	_ =	sdelay $0x2  }
0xbb: {  	s31 =	sshll.u32 s1, $0xD;
	s1 =	sshrl.u32 s1, $0x2  }
0xbc: {  	s3 =	sand.u32 $0x4000, s31;
	s1 =	sadd.s32 s1, s30  }
0xbd: {  	s0 =	sor.u32 s3, s0;
	s1 =	sshll.u32 s1, $0x11  }
0xbe: {  	s0 =	sor.u32 s1, s0  }
0xbf: {  	s0 =	sadd.s32 $0x8F2B, s0  }
0xc0: {  	[sflag:s0] =	ssyncadd.remote.s32 $0x1  }
0xc1: {  	_ =	sfence.sel $0xFFFF  }
0xc2: {  	[dreg:$0x0] =	wrdreg $0xFFFFFFFF;
	(pc) =	sbr.abs _section_cstart, $3  }
0xc3: {  	[dreg:$0x1] =	wrdreg $0xFFFFFFFF  }
0xc4: {  	_ =	task.clear_ibuf [dreg:s9], $0x2FFFF;
	_ =	strace $0x9FFFFFFF  }
0xc5: {  	(tm) =	ssettm $0x7FFFFFFF  }
tec
execute0_lowered:
.L_overlay_start_1:
0x0: {  	(tag) =	ssettag $0x1  }
0x1: {  	s1 =	srdreg.scid;
	s15 =	rddreg [dreg:$0x0]  }
0x2: {  	s0 =	stileid.u32;
	s16 =	rddreg [dreg:$0x2];
	s19 =	simm.s32 $0x9600  }
0x3: {  	s20 =	simm.s32 $0xC800;
	s28 =	simm.s32 $0x6;
	s29 =	simm.s32 $0x7  }
0x4: {  	s1 =	sand.u32 $0x1, s1;
	s3 =	sshll.u32 s0, $0x1;
	s5 =	smul.u32 $0x640000, s0  }
0x5: {  	s30 =	simm.s32 $0x8;
	s3 =	sor.u32 s1, s3;
	s6 =	smul.u32 $0x320000, s1  }
0x6: {  	s1 =	ssub.s32 $0x2, s1;
	s4 =	smul.u32 $0x320000, s3;
	s3 =	simm.s32 $0x0  }
0x7: {  	s31 =	simm.s32 $0x0;
	s7 =	sshrl.u32 s1, $0x1;
	[smem:$0x7FF] =	sst s3  }
0x8: {  	s17 =	sadd.s32 s6, s5;
	s1 =	ssub.s32 s1, s7;
	_ =	strace $0x80000047  }
0x9: {  	s4 =	sshrl.u32 s4, $0x3;
	s8 =	sor.u32 $0x15E00, s17;
	s22 =	sor.u32 $0x9600, s17  }
0xa: {  	s11 =	sor.u32 $0x12C00, s17;
	s12 =	sor.u32 $0x6400, s17;
	s24 =	sor.u32 $0xFA00, s17  }
0xb: {  	s14 =	sor.u32 $0x3200, s17;
	s18 =	sor.u32 $0xC800, s17;
	s26 =	sshrl.u32 s17, $0x3  }
0xc: {  	s17 =	simm.s32 $0x9;
	s4 =	sadd.s32 s15, s4;
	s9 =	sshrl.u32 s8, $0x3  }
0xd: {  	s8 =	smax.u32 s1, $0x1;
	s1 =	sshrl.u32 s22, $0x3;
	s23 =	sshrl.u32 s11, $0x3  }
0xe: {  	s12 =	sshrl.u32 s12, $0x3;
	s25 =	sshrl.u32 s14, $0x3;
	s18 =	sshrl.u32 s18, $0x3  }
0xf: {  	s22 =	simm.s32 $0x1;
	s21 =	sadd.s32 $0x640, s4;
	s6 =	sadd.s32 $0xC80, s4  }
0x10: {  	s7 =	sadd.s32 $0x12C0, s4;
	s9 =	sadd.s32 s9, s15;
	s10 =	sadd.s32 s1, s16  }
.Ltmp0:
0x11: {  	s11 =	sadd.s32 s23, s15;
	s12 =	sadd.s32 s12, s16;
	(pc) =	sbr.rel .LBB2_1-.Ltmp0, $4  }
0x12: {  	s1 =	sshrl.u32 s24, $0x3;
	s14 =	sadd.s32 s25, s16;
	s16 =	sadd.s32 s26, s16  }
0x13: {  	s23 =	simm.s32 $0x2;
	s24 =	simm.s32 $0x3;
	s25 =	simm.s32 $0x4  }
0x14: {  	s26 =	simm.s32 $0x5;
	[dreg:$0x4] =	wrdreg s21;
	s13 =	sadd.s32 s1, s15  }
0x15: {  	s15 =	sadd.s32 s18, s15;
	s18 =	simm.s32 $0x6400;
	s21 =	simm.s32 $0xFA00  }
.LBB2_4:
0x16: {  	_ =	swait.ge [sflag:s26], $0x3200  }
0x17: {  	[sflag:s26] =	ssyncset.done $0x0  }
0x18: {  	[sflag:s26] =	ssyncadd.s32 $0xFFFFCE00  }
0x19: {  	_ =	swait.ge [sflag:s28], $0x3200  }
0x1a: {  	[sflag:s28] =	ssyncset.done $0x0  }
0x1b: {  	s31 =	sadd.s32 $0x1, s31;
	[sflag:s28] =	ssyncadd.s32 $0xFFFFCE00  }
0x1c: {  	p0 =	sne.s32 s31, s8;
	_ =	swait.ge [sflag:s29], $0x3200  }
.Ltmp1:
0x1d: {  	[sflag:s29] =	ssyncset.done $0x0;
	(pc) =	sbr.rel @!p0 .LBB2_5-.Ltmp1, $4  }
0x1e: {  	[sflag:s29] =	ssyncadd.s32 $0xFFFFCE00  }
0x1f: {  	_ =	swait.ge [sflag:s30], $0x3200  }
0x20: {  	[sflag:s30] =	ssyncset.done $0x0  }
0x21: {  	[sflag:s30] =	ssyncadd.s32 $0xFFFFCE00  }
.LBB2_1:
0x22: {  	s0 =	rddreg [dreg:$0x1]  }
0x23: {  	[tilespmem:s3], [sflag:$0x9] =	stream.linear.gather [hbm4b:s0+s3], $0x6400, $0x38;
	[tilespmem:$0x12C00] =	vst v63  }
0x24: {  	_ =	swait.ge [sflag:s17], $0x6400  }
0x25: {  	[sflag:s17] =	ssyncset.done $0x0  }
0x26: {  	[sflag:s17] =	ssyncadd.s32 $0xFFFF9C00  }
0x27: {  	[tilespmem:s18], [sflag:$0x1] =	stream.linear.gather [hbm4b:s4+s3], $0x3200, $0x38;
	[tilespmem:$0x12C00] =	vst v63  }
0x28: {  	s5 =	rddreg [dreg:$0x4]  }
0x29: {  	[tilespmem:s19], [sflag:$0x2] =	stream.linear.gather [hbm4b:s5+s3], $0x3200, $0x38;
	[tilespmem:$0x12C00] =	vst v63  }
0x2a: {  	_ = 	snop  }
0x2b: {  	[tilespmem:s20], [sflag:$0x3] =	stream.linear.gather [hbm4b:s6+s3], $0x3200, $0x38;
	[tilespmem:$0x12C00] =	vst v63  }
0x2c: {  	s1 =	simm.s32 $0x0  }
0x2d: {  	[tilespmem:s21], [sflag:$0x4] =	stream.linear.gather [hbm4b:s7+s3], $0x3200, $0x38;
	[tilespmem:$0x12C00] =	vst v63  }
.LBB2_2:
0x2e: {  	_ =	swait.ge [sflag:s22], $0x3200  }
0x2f: {  	p0 =	seq.s32 s1, $0x0;
	[sflag:s22] =	ssyncset.done $0x0  }
0x30: {  	s0 =	simm.s32 @!p0 $0x5;
	[sflag:s22] =	ssyncadd.s32 $0xFFFFCE00  }
0x31: {  	_ =	swait.ge @!p0 [sflag:s0], $0x3200  }
0x32: {  	[sflag:s0] =	ssyncset.done @!p0 $0x0  }
0x33: {  	s2 =	sadd.s32 s1, s16;
	p1 =	seq.s32 s1, $0x62700;
	[sflag:s0] =	ssyncadd.s32 @!p0 $0xFFFFCE00  }
0x34: {  	[hbm4b:s2+s3] =	stream.linear.scatter [tilespmem:s18], [sflag:$0x5], $0x3200, $0x38;
	[tilespmem:$0x12C00] =	vst v63  }
0x35: {  	s5 =	simm.s32 @!p1 $0x6400;
	s0 =	sadd.s32 @!p1 s1, s15;
	s2 =	simm.s32 @!p1 $0x0  }
0x36: {  	[tilespmem:s5], [sflag:$0x1] =	stream.linear.gather @!p1 [hbm4b:s0+s2], $0x3200, $0x38;
	[tilespmem:$0x12C00] =	vst v63  }
0x37: {  	_ =	swait.ge [sflag:s23], $0x3200  }
0x38: {  	[sflag:s23] =	ssyncset.done $0x0  }
0x39: {  	s0 =	simm.s32 @!p0 $0x6;
	[sflag:s23] =	ssyncadd.s32 $0xFFFFCE00  }
0x3a: {  	_ =	swait.ge @!p0 [sflag:s0], $0x3200  }
0x3b: {  	[sflag:s0] =	ssyncset.done @!p0 $0x0  }
0x3c: {  	s5 =	sadd.s32 s1, s14;
	[sflag:s0] =	ssyncadd.s32 @!p0 $0xFFFFCE00  }
0x3d: {  	[hbm4b:s5+s3] =	stream.linear.scatter [tilespmem:s19], [sflag:$0x6], $0x3200, $0x38;
	[tilespmem:$0x12C00] =	vst v63  }
0x3e: {  	s0 =	sadd.s32 @!p1 s1, s13;
	s5 =	simm.s32 @!p1 $0x9600  }
0x3f: {  	[tilespmem:s5], [sflag:$0x2] =	stream.linear.gather @!p1 [hbm4b:s0+s2], $0x3200, $0x38;
	[tilespmem:$0x12C00] =	vst v63  }
0x40: {  	_ =	swait.ge [sflag:s24], $0x3200  }
0x41: {  	[sflag:s24] =	ssyncset.done $0x0  }
0x42: {  	s0 =	simm.s32 @!p0 $0x7;
	[sflag:s24] =	ssyncadd.s32 $0xFFFFCE00  }
0x43: {  	_ =	swait.ge @!p0 [sflag:s0], $0x3200  }
0x44: {  	[sflag:s0] =	ssyncset.done @!p0 $0x0  }
0x45: {  	s5 =	sadd.s32 s1, s12;
	[sflag:s0] =	ssyncadd.s32 @!p0 $0xFFFFCE00  }
0x46: {  	[hbm4b:s5+s3] =	stream.linear.scatter [tilespmem:s20], [sflag:$0x7], $0x3200, $0x38;
	[tilespmem:$0x12C00] =	vst v63  }
0x47: {  	s0 =	sadd.s32 @!p1 s1, s11;
	s5 =	simm.s32 @!p1 $0xC800  }
0x48: {  	[tilespmem:s5], [sflag:$0x3] =	stream.linear.gather @!p1 [hbm4b:s0+s2], $0x3200, $0x38;
	[tilespmem:$0x12C00] =	vst v63  }
0x49: {  	_ =	swait.ge [sflag:s25], $0x3200  }
0x4a: {  	[sflag:s25] =	ssyncset.done $0x0  }
.Ltmp2:
0x4b: {  	s0 =	simm.s32 @!p0 $0x8;
	[sflag:s25] =	ssyncadd.s32 $0xFFFFCE00;
	(pc) =	sbr.rel @p1 .LBB2_4-.Ltmp2, $4  }
0x4c: {  	_ =	swait.ge @!p0 [sflag:s0], $0x3200  }
0x4d: {  	[sflag:s0] =	ssyncset.done @!p0 $0x0  }
0x4e: {  	s5 =	sadd.s32 s1, s10;
	[sflag:s0] =	ssyncadd.s32 @!p0 $0xFFFFCE00  }
0x4f: {  	[hbm4b:s5+s3] =	stream.linear.scatter [tilespmem:s21], [sflag:$0x8], $0x3200, $0x38;
	[tilespmem:$0x12C00] =	vst v63  }
.Ltmp3:
0x50: {  	(pc) =	sbr.rel .LBB2_2-.Ltmp3, $3  }
0x51: {  	_ =	sdelay $0x1  }
0x52: {  	s0 =	sadd.s32 s1, s9;
	s1 =	sadd.s32 $0x1900, s1  }
0x53: {  	[tilespmem:s21], [sflag:$0x4] =	stream.linear.gather [hbm4b:s0+s3], $0x3200, $0x38;
	[tilespmem:$0x12C00] =	vst v63  }
.LBB2_5:
0x54: {  	_ =	sfence.sel $0x180000  }
0x55: {  	[bflag:$0x0] =	sbarrier.arrive $0xFFFF  }
0x56: {  	_ =	strace $0x90000047  }
0x57: {  	s0 =	stileid.u32;
	[bflag:$0x2] =	sbarrier.arrive $0xFFFF  }
0x58: {  	p0 =	sne.s32 s0, $0x0;
	s0 =	rddreg [dreg:$0x3]  }
0x59: {  	s0 =	sadd.s32 @!p0 $0x100000, s0  }
0x5a: {  	[sflag:s0] =	ssyncadd.tile.s32 @!p0 $0x1;
	_ =	shalt  }
.Lfunc_end2:
_tile_overlayer_lowered:
.L_overlay_start_2:
0x5b: {  	(tag) =	ssettag $0x2  }
0x5c: {  	s0 =	rddreg [dreg:$0x0];
	s2 =	stileid.u32  }
0x5d: {  	s1 =	rddreg [dreg:$0x1];
	p0 =	sne.s32 s2, $0x0  }
0x5e: {  	s3 =	rddreg [dreg:$0x2];
	[bflag:$0x3] =	sbarrier.arrive $0xFFFF;
	s2 =	simm.s32 @!p0 $0x1C09  }
0x5f: {  	[timem:s3], [sflag:s2] =	dma.local @!p0 [hbm:s0], s1  }
0x60: {  	s0 =	simm.s32 @!p0 $0x9  }
0x61: {  	_ =	swait.ge @!p0 [sflag:s0], s1  }
0x62: {  	s1 =	ssub.s32 @!p0 $0x0, s1;
	[sflag:s0] =	ssyncset.done @!p0 $0x0  }
0x63: {  	[sflag:s0] =	ssyncadd.s32 @!p0 s1  }
0x64: {  	[bflag:$0x3] =	sbarrier.arrive $0xFFFF  }
0x65: {  	_ =	shalt  }

</sc_bundles>
